<compile_context>
chip_gen: v7x
topology: tpu7x:2x2x1
jax: 0.10.2.dev20260603
libtpu: 0.0.44.dev20260713+nightly
codegen_flags: <defaults>
</compile_context>

<pallas_src>
import functools

import jax
import jax.numpy as jnp
from jax import lax
from jax.experimental import pallas as pl
from jax.experimental.pallas import tpu as pltpu
from jax.experimental.pallas import tpu_sc as plsc

_EPS = 1e-4

_B, _N, _H, _W = 16, 1024, 128, 128
_HW = _H * _W
_NC, _NS, _L = 2, 16, 16
_NW = _NC * _NS
_KC = _N * 4

_mesh = plsc.VectorSubcoreMesh(core_axis_name="c", subcore_axis_name="s")


@functools.partial(
    pl.kernel,
    mesh=_mesh,
    out_type=jax.ShapeDtypeStruct((_NW * 128,), jnp.float32),
    compiler_params=pltpu.CompilerParams(needs_layout_passes=False),
    scratch_types=[
        pltpu.VMEM((_HW,), jnp.float32),
        pltpu.VMEM((_HW,), jnp.float32),
        pltpu.VMEM((_KC,), jnp.int32),
        pltpu.VMEM((_KC,), jnp.int32),
        pltpu.VMEM((8, 128), jnp.int32),
        pltpu.VMEM((2 * _N,), jnp.float32),
        pltpu.VMEM((8, 128), jnp.float32),
        pltpu.VMEM((128,), jnp.float32),
        pltpu.SemaphoreType.DMA,
        pltpu.SemaphoreType.DMA,
    ],
)
def _sc_loss(coord_hbm, span_hbm, lc_hbm, ci_hbm, lcs_hbm, cm_hbm,
             out_hbm, coord_v, span_v, idx_v, gt_v, ci_v, lcs_v, cm_v,
             stage_v, sem, sem2):
    b = lax.axis_index("s")
    c = lax.axis_index("c")
    wid = b * _NC + c
    bt = lax.shift_right_logical(b, 3)
    bs = b & 7

    cp_coord = [
        pltpu.async_copy(
            coord_hbm.at[pl.ds((b * 2 + c) * _HW, _HW)], coord_v, sem),
        pltpu.async_copy(lc_hbm.at[pl.ds(b * 3 * _KC, _KC)], idx_v, sem),
        pltpu.async_copy(
            lc_hbm.at[pl.ds((b * 3 + 1 + c) * _KC, _KC)], gt_v, sem),
        pltpu.async_copy(cm_hbm.at[bt, :, bs], cm_v, sem),
    ]
    cp_span = [
        pltpu.async_copy(
            span_hbm.at[pl.ds((b * 2 + c) * _HW, _HW)], span_v, sem2),
        pltpu.async_copy(lcs_hbm.at[pl.ds(b * 2 * _N, 2 * _N)], lcs_v, sem2),
        pltpu.async_copy(ci_hbm.at[bt, :, bs], ci_v, sem2),
    ]
    for cp in cp_coord:
        cp.wait()

    @plsc.parallel_loop(0, _KC // _L, carry=jnp.zeros((_L,), jnp.float32),
                        unroll=4)
    def acc_c(g, acc):
        p0 = g * _L
        idx = idx_v[pl.ds(p0, _L)]
        gt = gt_v[pl.ds(p0, _L)].astype(jnp.float32)
        pred = plsc.load_gather(coord_v, [idx])
        m = cm_v[lax.shift_right_logical(g, 5), pl.ds((g & 7) * _L, _L)]
        return acc + jnp.abs(pred * m - gt * m)

    msel = jnp.where(c == 0, 1.0, 0.0).astype(jnp.float32)

    for cp in cp_span:
        cp.wait()

    @plsc.parallel_loop(
        0, _N // _L,
        carry=(jnp.zeros((_L,), jnp.float32), jnp.zeros((_L,), jnp.float32)),
        unroll=4)
    def span_accs(g, carry):
        acc_s, acc_m = carry
        nt = lax.shift_right_logical(g, 3)
        nl0 = (g & 7) * _L
        ind = ci_v[nt, pl.ds(nl0, _L)]
        sp = plsc.load_gather(span_v, [ind])
        gt = lcs_v[pl.ds(nt * 256 + c * 128 + nl0, _L)]
        m = cm_v[nt, pl.ds(nl0, _L)]
        return acc_s + jnp.abs(sp * m - gt * m), acc_m + m * msel

    acc_s, acc_m = span_accs

    lane = lax.iota(jnp.int32, _L)
    packed = jnp.where(lane == 0, jnp.sum(acc_c),
                       jnp.where(lane == 1, jnp.sum(acc_s),
                                 jnp.where(lane == 2, jnp.sum(acc_m), 0.0)))
    stage_v[pl.ds(0, _L)] = packed.astype(jnp.float32)
    zeros = jnp.zeros((_L,), jnp.float32)
    for k in range(1, 8):
        stage_v[pl.ds(k * _L, _L)] = zeros
    pltpu.sync_copy(stage_v, out_hbm.at[pl.ds(wid * 128, 128)])


def kernel(coord, span, lc_coords, lc_span, ct_ind, ct_mask):
    lc_lin = (lc_coords.reshape(_B, 8, 128, 4, 3)
              .transpose(0, 4, 1, 3, 2)
              .reshape(_B * 3 * _KC))
    lcs_lin = (lc_span.reshape(_B, 8, 128, 2)
               .transpose(0, 1, 3, 2)
               .reshape(_B * 2 * _N))
    ci_lin = ct_ind.reshape(2, 8, 8, 128).transpose(0, 2, 1, 3)
    cm_lin = ct_mask.reshape(2, 8, 8, 128).transpose(0, 2, 1, 3)
    partials = _sc_loss(
        coord.reshape(_B * 2 * _HW),
        span.reshape(_B * 2 * _HW),
        lc_lin,
        ci_lin,
        lcs_lin,
        cm_lin,
    )
    s = partials.reshape(_NW, 128).sum(axis=0)
    coord_sum = s[0]
    span_sum = s[1]
    mask_sum = s[2]
    coord_loss = coord_sum / (4.0 * mask_sum + _EPS)
    span_loss = span_sum / (2.0 * mask_sum + _EPS)
    return (coord_loss, jnp.array(0.0, dtype=jnp.float32), span_loss)

# --- scband reference (transcript-rebuilt; emitter-appended) ---
"""Pipeline reference for scband-logic-coord-loss-395136991505 (READ-ONLY COPY).

The authoritative reference and input builder live on the scoring server;
editing this copy changes nothing except your own understanding.
"""

import jax, jax.numpy as jnp
import numpy as np

EPS = 1e-4


def _transpose_and_gather_feat(feat, ind):
    # feat: [B, C, H, W], ind: [B, K] -> [B, K, C]
    B, C, H, W = feat.shape
    feat = jnp.transpose(feat, (0, 2, 3, 1)).reshape(B, H * W, C)
    return jnp.take_along_axis(feat, ind[:, :, None], axis=1)


def setup_inputs(seed: int = 0) -> dict:
    key = jax.random.key(seed)
    ks = jax.random.split(key, 6)
    B, N, H, W = 16, 1024, 128, 128
    coord = jax.random.normal(ks[0], (B, 2, H, W), dtype=jnp.float32)
    span = jax.random.normal(ks[1], (B, 2, H, W), dtype=jnp.float32)
    lc_coords = jax.random.randint(ks[2], (B, N, 4, 3), 0, H * W, dtype=jnp.int32)
    lc_span = jax.random.uniform(ks[3], (B, N, 2), dtype=jnp.float32)
    ct_ind = jax.random.randint(ks[4], (B, N), 0, H * W, dtype=jnp.int32)
    ct_mask = jnp.ones((B, N), dtype=jnp.float32)
    return {"coord": coord, "span": span, "lc_coords": lc_coords, "lc_span": lc_span, "ct_ind": ct_ind, "ct_mask": ct_mask}


def reference(coord, span, lc_coords, lc_span, ct_ind, ct_mask):
    B = lc_span.shape[0]
    N = lc_span.shape[1]
    coord_ind = lc_coords[..., 0]
    cols_gt = lc_coords[..., 1].astype(jnp.float32)
    rows_gt = lc_coords[..., 2].astype(jnp.float32)
    coords_pred = _transpose_and_gather_feat(coord, coord_ind.reshape(B, N * 4)).reshape(B, N, 4, 2)
    cols_pred = coords_pred[..., 0]
    rows_pred = coords_pred[..., 1]
    coord_mask = jnp.broadcast_to(ct_mask[:, :, None], (B, N, 4)).astype(jnp.float32)
    num_coord_mask = coord_mask.sum() + EPS
    span_pred = _transpose_and_gather_feat(span, ct_ind)
    span_mask = jnp.broadcast_to(ct_mask[:, :, None], (B, N, 2)).astype(jnp.float32)
    num_span_mask = span_mask.sum() + EPS
    col_coord_loss = jnp.sum(jnp.abs(cols_pred * coord_mask - cols_gt * coord_mask)) / num_coord_mask
    row_coord_loss = jnp.sum(jnp.abs(rows_pred * coord_mask - rows_gt * coord_mask)) / num_coord_mask
    coord_loss = col_coord_loss + row_coord_loss
    span_loss = jnp.sum(jnp.abs(span_pred * span_mask - lc_span * span_mask)) / num_span_mask
    return (coord_loss, jnp.array(0.0, dtype=jnp.float32), span_loss)

if __name__ == "__main__":
    import jax
    _d = setup_inputs()
    print(jax.jit(kernel)(*tuple(_d.values())))

</pallas_src>

<mosaic_0001>
#map = affine_map<(d0, d1) -> (0)>
#map1 = affine_map<(d0, d1) -> (0, 0, 0, 0)>
module attributes {stable_mosaic.version = 14 : i64} {
  func.func @_sc_loss(%arg0: i32, %arg1: i32, %arg2: memref<524288xf32, #tpu.memory_space<hbm>>, %arg3: memref<524288xf32, #tpu.memory_space<hbm>>, %arg4: memref<196608xi32, #tpu.memory_space<hbm>>, %arg5: memref<2x8x8x128xi32, #tpu.memory_space<hbm>>, %arg6: memref<32768xf32, #tpu.memory_space<hbm>>, %arg7: memref<2x8x8x128xf32, #tpu.memory_space<hbm>>, %arg8: memref<4096xf32, #tpu.memory_space<hbm>>, %arg9: memref<16384xf32, #tpu.memory_space<vmem>>, %arg10: memref<16384xf32, #tpu.memory_space<vmem>>, %arg11: memref<4096xi32, #tpu.memory_space<vmem>>, %arg12: memref<4096xi32, #tpu.memory_space<vmem>>, %arg13: memref<8x128xi32, #tpu.memory_space<vmem>>, %arg14: memref<2048xf32, #tpu.memory_space<vmem>>, %arg15: memref<8x128xf32, #tpu.memory_space<vmem>>, %arg16: memref<128xf32, #tpu.memory_space<vmem>>, %arg17: memref<!tpu.dma_semaphore, #tpu.memory_space<semaphore_mem>>, %arg18: memref<!tpu.dma_semaphore, #tpu.memory_space<semaphore_mem>>) attributes {dimension_semantics = [#tpu.dimension_semantics<core_parallel>, #tpu.dimension_semantics<subcore_parallel>], iteration_bounds = array<i64: 2, 16>, scalar_prefetch = 0 : i64, scratch_operands = 10 : i64, tpu.core_type = #tpu.core_type<sc_vector_subcore>, window_params = [{transform_indices = #map}, {transform_indices = #map}, {transform_indices = #map}, {transform_indices = #map1}, {transform_indices = #map}, {transform_indices = #map1}, {transform_indices = #map}]} {
    %mul3A = arith.constant 2 : i32
    %mul3A_0 = arith.muli %arg1, %mul3A : i32
    %add3A = arith.addi %mul3A_0, %arg0 : i32
    %shift_right_logical3A = arith.constant 3 : i32
    %shift_right_logical3A_1 = arith.shrui %arg1, %shift_right_logical3A : i32
    %and3A = arith.constant 7 : i32
    %and3A_2 = arith.andi %arg1, %and3A : i32
    %mul3A_3 = arith.constant 2 : i32
    %mul3A_4 = arith.muli %arg1, %mul3A_3 : i32
    %add3A_5 = arith.addi %mul3A_4, %arg0 : i32
    %mul3A_6 = arith.constant 16384 : i32
    %mul3A_7 = arith.muli %add3A_5, %mul3A_6 : i32
    %dma_start3A = tpu.memref_slice %arg2[%mul3A_7] : memref<524288xf32, #tpu.memory_space<hbm>> -> memref<16384xf32, #tpu.memory_space<hbm>>
    %dma_start3A_8 = tpu.memref_slice %arg2[%mul3A_7] : memref<524288xf32, #tpu.memory_space<hbm>> -> memref<16384xf32, #tpu.memory_space<hbm>>
    tpu.enqueue_dma source(%dma_start3A_8 : memref<16384xf32, #tpu.memory_space<hbm>>) target(%arg9 : memref<16384xf32, #tpu.memory_space<vmem>>) target_semaphore(%arg17 : memref<!tpu.dma_semaphore, #tpu.memory_space<semaphore_mem>>)
    %mul3A_9 = arith.constant 3 : i32
    %mul3A_10 = arith.muli %arg1, %mul3A_9 : i32
    %mul3A_11 = arith.constant 4096 : i32
    %mul3A_12 = arith.muli %mul3A_10, %mul3A_11 : i32
    %dma_start3A_13 = tpu.memref_slice %arg4[%mul3A_12] : memref<196608xi32, #tpu.memory_space<hbm>> -> memref<4096xi32, #tpu.memory_space<hbm>>
    %dma_start3A_14 = tpu.memref_slice %arg4[%mul3A_12] : memref<196608xi32, #tpu.memory_space<hbm>> -> memref<4096xi32, #tpu.memory_space<hbm>>
    tpu.enqueue_dma source(%dma_start3A_14 : memref<4096xi32, #tpu.memory_space<hbm>>) target(%arg11 : memref<4096xi32, #tpu.memory_space<vmem>>) target_semaphore(%arg17 : memref<!tpu.dma_semaphore, #tpu.memory_space<semaphore_mem>>)
    %mul3A_15 = arith.constant 3 : i32
    %mul3A_16 = arith.muli %arg1, %mul3A_15 : i32
    %add3A_17 = arith.constant 1 : i32
    %add3A_18 = arith.addi %mul3A_16, %add3A_17 : i32
    %add3A_19 = arith.addi %add3A_18, %arg0 : i32
    %mul3A_20 = arith.constant 4096 : i32
    %mul3A_21 = arith.muli %add3A_19, %mul3A_20 : i32
    %dma_start3A_22 = tpu.memref_slice %arg4[%mul3A_21] : memref<196608xi32, #tpu.memory_space<hbm>> -> memref<4096xi32, #tpu.memory_space<hbm>>
    %dma_start3A_23 = tpu.memref_slice %arg4[%mul3A_21] : memref<196608xi32, #tpu.memory_space<hbm>> -> memref<4096xi32, #tpu.memory_space<hbm>>
    tpu.enqueue_dma source(%dma_start3A_23 : memref<4096xi32, #tpu.memory_space<hbm>>) target(%arg12 : memref<4096xi32, #tpu.memory_space<vmem>>) target_semaphore(%arg17 : memref<!tpu.dma_semaphore, #tpu.memory_space<semaphore_mem>>)
    %dma_start3A_24 = arith.constant 0 : i32
    %dma_start3A_25 = arith.constant 0 : i32
    %dma_start3A_26 = tpu.memref_slice %arg7[%shift_right_logical3A_1, %dma_start3A_24, %and3A_2, %dma_start3A_25] : memref<2x8x8x128xf32, #tpu.memory_space<hbm>> -> memref<1x8x1x128xf32, #tpu.memory_space<hbm>>
    %dma_start3A_27 = tpu.memref_squeeze %dma_start3A_26 : memref<1x8x1x128xf32, #tpu.memory_space<hbm>> -> memref<8x128xf32, #tpu.memory_space<hbm>>
    %dma_start3A_28 = arith.constant 0 : i32
    %dma_start3A_29 = arith.constant 0 : i32
    %dma_start3A_30 = tpu.memref_slice %arg7[%shift_right_logical3A_1, %dma_start3A_28, %and3A_2, %dma_start3A_29] : memref<2x8x8x128xf32, #tpu.memory_space<hbm>> -> memref<1x8x1x128xf32, #tpu.memory_space<hbm>>
    %dma_start3A_31 = tpu.memref_squeeze %dma_start3A_30 : memref<1x8x1x128xf32, #tpu.memory_space<hbm>> -> memref<8x128xf32, #tpu.memory_space<hbm>>
    tpu.enqueue_dma source(%dma_start3A_31 : memref<8x128xf32, #tpu.memory_space<hbm>>) target(%arg15 : memref<8x128xf32, #tpu.memory_space<vmem>>) target_semaphore(%arg17 : memref<!tpu.dma_semaphore, #tpu.memory_space<semaphore_mem>>)
    %mul3A_32 = arith.constant 2 : i32
    %mul3A_33 = arith.muli %arg1, %mul3A_32 : i32
    %add3A_34 = arith.addi %mul3A_33, %arg0 : i32
    %mul3A_35 = arith.constant 16384 : i32
    %mul3A_36 = arith.muli %add3A_34, %mul3A_35 : i32
    %dma_start3A_37 = tpu.memref_slice %arg3[%mul3A_36] : memref<524288xf32, #tpu.memory_space<hbm>> -> memref<16384xf32, #tpu.memory_space<hbm>>
    %dma_start3A_38 = tpu.memref_slice %arg3[%mul3A_36] : memref<524288xf32, #tpu.memory_space<hbm>> -> memref<16384xf32, #tpu.memory_space<hbm>>
    tpu.enqueue_dma source(%dma_start3A_38 : memref<16384xf32, #tpu.memory_space<hbm>>) target(%arg10 : memref<16384xf32, #tpu.memory_space<vmem>>) target_semaphore(%arg18 : memref<!tpu.dma_semaphore, #tpu.memory_space<semaphore_mem>>)
    %mul3A_39 = arith.constant 2 : i32
    %mul3A_40 = arith.muli %arg1, %mul3A_39 : i32
    %mul3A_41 = arith.constant 1024 : i32
    %mul3A_42 = arith.muli %mul3A_40, %mul3A_41 : i32
    %dma_start3A_43 = tpu.memref_slice %arg6[%mul3A_42] : memref<32768xf32, #tpu.memory_space<hbm>> -> memref<2048xf32, #tpu.memory_space<hbm>>
    %dma_start3A_44 = tpu.memref_slice %arg6[%mul3A_42] : memref<32768xf32, #tpu.memory_space<hbm>> -> memref<2048xf32, #tpu.memory_space<hbm>>
    tpu.enqueue_dma source(%dma_start3A_44 : memref<2048xf32, #tpu.memory_space<hbm>>) target(%arg14 : memref<2048xf32, #tpu.memory_space<vmem>>) target_semaphore(%arg18 : memref<!tpu.dma_semaphore, #tpu.memory_space<semaphore_mem>>)
    %dma_start3A_45 = arith.constant 0 : i32
    %dma_start3A_46 = arith.constant 0 : i32
    %dma_start3A_47 = tpu.memref_slice %arg5[%shift_right_logical3A_1, %dma_start3A_45, %and3A_2, %dma_start3A_46] : memref<2x8x8x128xi32, #tpu.memory_space<hbm>> -> memref<1x8x1x128xi32, #tpu.memory_space<hbm>>
    %dma_start3A_48 = tpu.memref_squeeze %dma_start3A_47 : memref<1x8x1x128xi32, #tpu.memory_space<hbm>> -> memref<8x128xi32, #tpu.memory_space<hbm>>
    %dma_start3A_49 = arith.constant 0 : i32
    %dma_start3A_50 = arith.constant 0 : i32
    %dma_start3A_51 = tpu.memref_slice %arg5[%shift_right_logical3A_1, %dma_start3A_49, %and3A_2, %dma_start3A_50] : memref<2x8x8x128xi32, #tpu.memory_space<hbm>> -> memref<1x8x1x128xi32, #tpu.memory_space<hbm>>
    %dma_start3A_52 = tpu.memref_squeeze %dma_start3A_51 : memref<1x8x1x128xi32, #tpu.memory_space<hbm>> -> memref<8x128xi32, #tpu.memory_space<hbm>>
    tpu.enqueue_dma source(%dma_start3A_52 : memref<8x128xi32, #tpu.memory_space<hbm>>) target(%arg13 : memref<8x128xi32, #tpu.memory_space<vmem>>) target_semaphore(%arg18 : memref<!tpu.dma_semaphore, #tpu.memory_space<semaphore_mem>>)
    %dma_wait3A = tpu.memref_slice %arg2[%mul3A_7] : memref<524288xf32, #tpu.memory_space<hbm>> -> memref<16384xf32, #tpu.memory_space<hbm>>
    %dma_wait3A_53 = tpu.memref_slice %arg2[%mul3A_7] : memref<524288xf32, #tpu.memory_space<hbm>> -> memref<16384xf32, #tpu.memory_space<hbm>>
    tpu.wait_dma2 semaphore(%arg17 : memref<!tpu.dma_semaphore, #tpu.memory_space<semaphore_mem>>) src(%dma_wait3A_53 : memref<16384xf32, #tpu.memory_space<hbm>>) dst(%arg9 : memref<16384xf32, #tpu.memory_space<vmem>>)
    %dma_wait3A_54 = tpu.memref_slice %arg4[%mul3A_12] : memref<196608xi32, #tpu.memory_space<hbm>> -> memref<4096xi32, #tpu.memory_space<hbm>>
    %dma_wait3A_55 = tpu.memref_slice %arg4[%mul3A_12] : memref<196608xi32, #tpu.memory_space<hbm>> -> memref<4096xi32, #tpu.memory_space<hbm>>
    tpu.wait_dma2 semaphore(%arg17 : memref<!tpu.dma_semaphore, #tpu.memory_space<semaphore_mem>>) src(%dma_wait3A_55 : memref<4096xi32, #tpu.memory_space<hbm>>) dst(%arg11 : memref<4096xi32, #tpu.memory_space<vmem>>)
    %dma_wait3A_56 = tpu.memref_slice %arg4[%mul3A_21] : memref<196608xi32, #tpu.memory_space<hbm>> -> memref<4096xi32, #tpu.memory_space<hbm>>
    %dma_wait3A_57 = tpu.memref_slice %arg4[%mul3A_21] : memref<196608xi32, #tpu.memory_space<hbm>> -> memref<4096xi32, #tpu.memory_space<hbm>>
    tpu.wait_dma2 semaphore(%arg17 : memref<!tpu.dma_semaphore, #tpu.memory_space<semaphore_mem>>) src(%dma_wait3A_57 : memref<4096xi32, #tpu.memory_space<hbm>>) dst(%arg12 : memref<4096xi32, #tpu.memory_space<vmem>>)
    %dma_wait3A_58 = arith.constant 0 : i32
    %dma_wait3A_59 = arith.constant 0 : i32
    %dma_wait3A_60 = tpu.memref_slice %arg7[%shift_right_logical3A_1, %dma_wait3A_58, %and3A_2, %dma_wait3A_59] : memref<2x8x8x128xf32, #tpu.memory_space<hbm>> -> memref<1x8x1x128xf32, #tpu.memory_space<hbm>>
    %dma_wait3A_61 = tpu.memref_squeeze %dma_wait3A_60 : memref<1x8x1x128xf32, #tpu.memory_space<hbm>> -> memref<8x128xf32, #tpu.memory_space<hbm>>
    %dma_wait3A_62 = arith.constant 0 : i32
    %dma_wait3A_63 = arith.constant 0 : i32
    %dma_wait3A_64 = tpu.memref_slice %arg7[%shift_right_logical3A_1, %dma_wait3A_62, %and3A_2, %dma_wait3A_63] : memref<2x8x8x128xf32, #tpu.memory_space<hbm>> -> memref<1x8x1x128xf32, #tpu.memory_space<hbm>>
    %dma_wait3A_65 = tpu.memref_squeeze %dma_wait3A_64 : memref<1x8x1x128xf32, #tpu.memory_space<hbm>> -> memref<8x128xf32, #tpu.memory_space<hbm>>
    tpu.wait_dma2 semaphore(%arg17 : memref<!tpu.dma_semaphore, #tpu.memory_space<semaphore_mem>>) src(%dma_wait3A_65 : memref<8x128xf32, #tpu.memory_space<hbm>>) dst(%arg15 : memref<8x128xf32, #tpu.memory_space<vmem>>)
    %broadcast_in_dim3A = arith.constant 0.000000e+00 : f32
    %broadcast_in_dim3A_66 = vector.broadcast %broadcast_in_dim3A : f32 to vector<16xf32>
    %parallel_loop3A = arith.constant 0 : i32
    %parallel_loop3A_67 = arith.constant 256 : i32
    %parallel_loop3A_68 = arith.constant 1 : i32
    %parallel_loop3A_69 = scf.for %parallel_loop3A_139 = %parallel_loop3A to %parallel_loop3A_67 step %parallel_loop3A_68 iter_args(%parallel_loop3A_140 = %broadcast_in_dim3A_66) -> (vector<16xf32>)  : i32 {
      %parallel_loop3A_141 = arith.constant 16 : i32
      %parallel_loop3A_142 = arith.muli %parallel_loop3A_139, %parallel_loop3A_141 : i32
      %parallel_loop3A_143 = arith.index_cast %parallel_loop3A_142 : i32 to index
      %parallel_loop3A_144 = tpu.vector_load %arg11[%parallel_loop3A_143] {strides = array<i32>} : memref<4096xi32, #tpu.memory_space<vmem>>, vector<16xi32>,
      %parallel_loop3A_145 = arith.index_cast %parallel_loop3A_142 : i32 to index
      %parallel_loop3A_146 = tpu.vector_load %arg12[%parallel_loop3A_145] {strides = array<i32>} : memref<4096xi32, #tpu.memory_space<vmem>>, vector<16xi32>,
      %parallel_loop3A_147 = arith.sitofp %parallel_loop3A_146 : vector<16xi32> to vector<16xf32>
      %parallel_loop3A_148 = tpu.vector_load_idx %arg9[%parallel_loop3A_144] : memref<16384xf32, #tpu.memory_space<vmem>>[vector<16xi32>], vector<16xf32>,
      %parallel_loop3A_149 = arith.constant 5 : i32
      %parallel_loop3A_150 = arith.shrui %parallel_loop3A_139, %parallel_loop3A_149 : i32
      %parallel_loop3A_151 = arith.constant 7 : i32
      %parallel_loop3A_152 = arith.andi %parallel_loop3A_139, %parallel_loop3A_151 : i32
      %parallel_loop3A_153 = arith.constant 16 : i32
      %parallel_loop3A_154 = arith.muli %parallel_loop3A_152, %parallel_loop3A_153 : i32
      %parallel_loop3A_155 = arith.index_cast %parallel_loop3A_150 : i32 to index
      %parallel_loop3A_156 = arith.index_cast %parallel_loop3A_154 : i32 to index
      %parallel_loop3A_157 = tpu.vector_load %arg15[%parallel_loop3A_155, %parallel_loop3A_156] {strides = array<i32>} : memref<8x128xf32, #tpu.memory_space<vmem>>, vector<16xf32>,
      %parallel_loop3A_158 = arith.mulf %parallel_loop3A_148, %parallel_loop3A_157 : vector<16xf32>
      %parallel_loop3A_159 = arith.mulf %parallel_loop3A_147, %parallel_loop3A_157 : vector<16xf32>
      %parallel_loop3A_160 = arith.subf %parallel_loop3A_158, %parallel_loop3A_159 : vector<16xf32>
      %parallel_loop3A_161 = math.absf %parallel_loop3A_160 : vector<16xf32>
      %parallel_loop3A_162 = arith.addf %parallel_loop3A_140, %parallel_loop3A_161 : vector<16xf32>
      scf.yield %parallel_loop3A_162 : vector<16xf32>
    } {sc.loop_unroll_factor = 4 : i64, sc.parallel_access}
    %eq3A = arith.constant 0 : i32
    %eq3A_70 = arith.cmpi eq, %arg0, %eq3A : i32
    %jit3A = arith.constant 1.000000e+00 : f32
    %jit3A_71 = arith.constant 0.000000e+00 : f32
    %select_n3A = arith.select %eq3A_70, %jit3A, %jit3A_71 : f32
    %dma_wait3A_72 = tpu.memref_slice %arg3[%mul3A_36] : memref<524288xf32, #tpu.memory_space<hbm>> -> memref<16384xf32, #tpu.memory_space<hbm>>
    %dma_wait3A_73 = tpu.memref_slice %arg3[%mul3A_36] : memref<524288xf32, #tpu.memory_space<hbm>> -> memref<16384xf32, #tpu.memory_space<hbm>>
    tpu.wait_dma2 semaphore(%arg18 : memref<!tpu.dma_semaphore, #tpu.memory_space<semaphore_mem>>) src(%dma_wait3A_73 : memref<16384xf32, #tpu.memory_space<hbm>>) dst(%arg10 : memref<16384xf32, #tpu.memory_space<vmem>>)
    %dma_wait3A_74 = tpu.memref_slice %arg6[%mul3A_42] : memref<32768xf32, #tpu.memory_space<hbm>> -> memref<2048xf32, #tpu.memory_space<hbm>>
    %dma_wait3A_75 = tpu.memref_slice %arg6[%mul3A_42] : memref<32768xf32, #tpu.memory_space<hbm>> -> memref<2048xf32, #tpu.memory_space<hbm>>
    tpu.wait_dma2 semaphore(%arg18 : memref<!tpu.dma_semaphore, #tpu.memory_space<semaphore_mem>>) src(%dma_wait3A_75 : memref<2048xf32, #tpu.memory_space<hbm>>) dst(%arg14 : memref<2048xf32, #tpu.memory_space<vmem>>)
    %dma_wait3A_76 = arith.constant 0 : i32
    %dma_wait3A_77 = arith.constant 0 : i32
    %dma_wait3A_78 = tpu.memref_slice %arg5[%shift_right_logical3A_1, %dma_wait3A_76, %and3A_2, %dma_wait3A_77] : memref<2x8x8x128xi32, #tpu.memory_space<hbm>> -> memref<1x8x1x128xi32, #tpu.memory_space<hbm>>
    %dma_wait3A_79 = tpu.memref_squeeze %dma_wait3A_78 : memref<1x8x1x128xi32, #tpu.memory_space<hbm>> -> memref<8x128xi32, #tpu.memory_space<hbm>>
    %dma_wait3A_80 = arith.constant 0 : i32
    %dma_wait3A_81 = arith.constant 0 : i32
    %dma_wait3A_82 = tpu.memref_slice %arg5[%shift_right_logical3A_1, %dma_wait3A_80, %and3A_2, %dma_wait3A_81] : memref<2x8x8x128xi32, #tpu.memory_space<hbm>> -> memref<1x8x1x128xi32, #tpu.memory_space<hbm>>
    %dma_wait3A_83 = tpu.memref_squeeze %dma_wait3A_82 : memref<1x8x1x128xi32, #tpu.memory_space<hbm>> -> memref<8x128xi32, #tpu.memory_space<hbm>>
    tpu.wait_dma2 semaphore(%arg18 : memref<!tpu.dma_semaphore, #tpu.memory_space<semaphore_mem>>) src(%dma_wait3A_83 : memref<8x128xi32, #tpu.memory_space<hbm>>) dst(%arg13 : memref<8x128xi32, #tpu.memory_space<vmem>>)
    %broadcast_in_dim3A_84 = arith.constant 0.000000e+00 : f32
    %broadcast_in_dim3A_85 = vector.broadcast %broadcast_in_dim3A_84 : f32 to vector<16xf32>
    %broadcast_in_dim3A_86 = arith.constant 0.000000e+00 : f32
    %broadcast_in_dim3A_87 = vector.broadcast %broadcast_in_dim3A_86 : f32 to vector<16xf32>
    %parallel_loop3A_88 = arith.constant 0 : i32
    %parallel_loop3A_89 = arith.constant 64 : i32
    %parallel_loop3A_90 = arith.constant 1 : i32
    %parallel_loop3A_91:2 = scf.for %parallel_loop3A_139 = %parallel_loop3A_88 to %parallel_loop3A_89 step %parallel_loop3A_90 iter_args(%parallel_loop3A_140 = %broadcast_in_dim3A_85, %parallel_loop3A_141 = %broadcast_in_dim3A_87) -> (vector<16xf32>, vector<16xf32>)  : i32 {
      %parallel_loop3A_142 = arith.constant 3 : i32
      %parallel_loop3A_143 = arith.shrui %parallel_loop3A_139, %parallel_loop3A_142 : i32
      %parallel_loop3A_144 = arith.constant 7 : i32
      %parallel_loop3A_145 = arith.andi %parallel_loop3A_139, %parallel_loop3A_144 : i32
      %parallel_loop3A_146 = arith.constant 16 : i32
      %parallel_loop3A_147 = arith.muli %parallel_loop3A_145, %parallel_loop3A_146 : i32
      %parallel_loop3A_148 = arith.index_cast %parallel_loop3A_143 : i32 to index
      %parallel_loop3A_149 = arith.index_cast %parallel_loop3A_147 : i32 to index
      %parallel_loop3A_150 = tpu.vector_load %arg13[%parallel_loop3A_148, %parallel_loop3A_149] {strides = array<i32>} : memref<8x128xi32, #tpu.memory_space<vmem>>, vector<16xi32>,
      %parallel_loop3A_151 = tpu.vector_load_idx %arg10[%parallel_loop3A_150] : memref<16384xf32, #tpu.memory_space<vmem>>[vector<16xi32>], vector<16xf32>,
      %parallel_loop3A_152 = arith.constant 256 : i32
      %parallel_loop3A_153 = arith.muli %parallel_loop3A_143, %parallel_loop3A_152 : i32
      %parallel_loop3A_154 = arith.constant 128 : i32
      %parallel_loop3A_155 = arith.muli %arg0, %parallel_loop3A_154 : i32
      %parallel_loop3A_156 = arith.addi %parallel_loop3A_153, %parallel_loop3A_155 : i32
      %parallel_loop3A_157 = arith.addi %parallel_loop3A_156, %parallel_loop3A_147 : i32
      %parallel_loop3A_158 = arith.index_cast %parallel_loop3A_157 : i32 to index
      %parallel_loop3A_159 = tpu.vector_load %arg14[%parallel_loop3A_158] {strides = array<i32>} : memref<2048xf32, #tpu.memory_space<vmem>>, vector<16xf32>,
      %parallel_loop3A_160 = arith.index_cast %parallel_loop3A_143 : i32 to index
      %parallel_loop3A_161 = arith.index_cast %parallel_loop3A_147 : i32 to index
      %parallel_loop3A_162 = tpu.vector_load %arg15[%parallel_loop3A_160, %parallel_loop3A_161] {strides = array<i32>} : memref<8x128xf32, #tpu.memory_space<vmem>>, vector<16xf32>,
      %parallel_loop3A_163 = arith.mulf %parallel_loop3A_151, %parallel_loop3A_162 : vector<16xf32>
      %parallel_loop3A_164 = arith.mulf %parallel_loop3A_159, %parallel_loop3A_162 : vector<16xf32>
      %parallel_loop3A_165 = arith.subf %parallel_loop3A_163, %parallel_loop3A_164 : vector<16xf32>
      %parallel_loop3A_166 = math.absf %parallel_loop3A_165 : vector<16xf32>
      %parallel_loop3A_167 = arith.addf %parallel_loop3A_140, %parallel_loop3A_166 : vector<16xf32>
      %parallel_loop3A_168 = vector.broadcast %select_n3A : f32 to vector<16xf32>
      %parallel_loop3A_169 = arith.mulf %parallel_loop3A_162, %parallel_loop3A_168 : vector<16xf32>
      %parallel_loop3A_170 = arith.addf %parallel_loop3A_141, %parallel_loop3A_169 : vector<16xf32>
      scf.yield %parallel_loop3A_167, %parallel_loop3A_170 : vector<16xf32>, vector<16xf32>
    } {sc.loop_unroll_factor = 4 : i64, sc.parallel_access}
    %iota3A = tpu.iota {dimensions = array<i32: 0>} : vector<16xi32>
    %eq3A_92 = arith.constant 0 : i32
    %eq3A_93 = vector.broadcast %eq3A_92 : i32 to vector<16xi32>
    %eq3A_94 = arith.cmpi eq, %iota3A, %eq3A_93 : vector<16xi32>
    %reduce_sum3A = arith.constant true
    %reduce_sum3A_95 = vector.broadcast %reduce_sum3A : i1 to vector<16xi1>
    %reduce_sum3A_96 = tpu.scan <sum>, %parallel_loop3A_69 masked %reduce_sum3A_95 : vector<16xf32>, vector<16xi1> -> vector<16xf32>
    %reduce_sum3A_97 = vector.extract %reduce_sum3A_96[15] : f32 from vector<16xf32>
    %eq3A_98 = arith.constant 1 : i32
    %eq3A_99 = vector.broadcast %eq3A_98 : i32 to vector<16xi32>
    %eq3A_100 = arith.cmpi eq, %iota3A, %eq3A_99 : vector<16xi32>
    %reduce_sum3A_101 = arith.constant true
    %reduce_sum3A_102 = vector.broadcast %reduce_sum3A_101 : i1 to vector<16xi1>
    %reduce_sum3A_103 = tpu.scan <sum>, %parallel_loop3A_91#0 masked %reduce_sum3A_102 : vector<16xf32>, vector<16xi1> -> vector<16xf32>
    %reduce_sum3A_104 = vector.extract %reduce_sum3A_103[15] : f32 from vector<16xf32>
    %eq3A_105 = arith.constant 2 : i32
    %eq3A_106 = vector.broadcast %eq3A_105 : i32 to vector<16xi32>
    %eq3A_107 = arith.cmpi eq, %iota3A, %eq3A_106 : vector<16xi32>
    %reduce_sum3A_108 = arith.constant true
    %reduce_sum3A_109 = vector.broadcast %reduce_sum3A_108 : i1 to vector<16xi1>
    %reduce_sum3A_110 = tpu.scan <sum>, %parallel_loop3A_91#1 masked %reduce_sum3A_109 : vector<16xf32>, vector<16xi1> -> vector<16xf32>
    %reduce_sum3A_111 = vector.extract %reduce_sum3A_110[15] : f32 from vector<16xf32>
    %jit3A_112 = arith.constant 0.000000e+00 : f32
    %broadcast_in_dim3A_113 = vector.broadcast %reduce_sum3A_111 : f32 to vector<16xf32>
    %broadcast_in_dim3A_114 = vector.broadcast %jit3A_112 : f32 to vector<16xf32>
    %select_n3A_115 = arith.select %eq3A_107, %broadcast_in_dim3A_113, %broadcast_in_dim3A_114 : vector<16xi1>, vector<16xf32>
    %broadcast_in_dim3A_116 = vector.broadcast %reduce_sum3A_104 : f32 to vector<16xf32>
    %select_n3A_117 = arith.select %eq3A_100, %broadcast_in_dim3A_116, %select_n3A_115 : vector<16xi1>, vector<16xf32>
    %broadcast_in_dim3A_118 = vector.broadcast %reduce_sum3A_97 : f32 to vector<16xf32>
    %select_n3A_119 = arith.select %eq3A_94, %broadcast_in_dim3A_118, %select_n3A_117 : vector<16xi1>, vector<16xf32>
    %swap3A = arith.constant 0 : index
    %swap3A_120 = tpu.vector_load %arg16[%swap3A] {strides = array<i32>} : memref<128xf32, #tpu.memory_space<vmem>>, vector<16xf32>,
    tpu.vector_store %arg16[%swap3A], %select_n3A_119 {strides = array<i32>} : memref<128xf32, #tpu.memory_space<vmem>>, vector<16xf32>,
    %broadcast_in_dim3A_121 = arith.constant 0.000000e+00 : f32
    %broadcast_in_dim3A_122 = vector.broadcast %broadcast_in_dim3A_121 : f32 to vector<16xf32>
    %swap3A_123 = arith.constant 16 : index
    %swap3A_124 = tpu.vector_load %arg16[%swap3A_123] {strides = array<i32>} : memref<128xf32, #tpu.memory_space<vmem>>, vector<16xf32>,
    tpu.vector_store %arg16[%swap3A_123], %broadcast_in_dim3A_122 {strides = array<i32>} : memref<128xf32, #tpu.memory_space<vmem>>, vector<16xf32>,
    %swap3A_125 = arith.constant 32 : index
    %swap3A_126 = tpu.vector_load %arg16[%swap3A_125] {strides = array<i32>} : memref<128xf32, #tpu.memory_space<vmem>>, vector<16xf32>,
    tpu.vector_store %arg16[%swap3A_125], %broadcast_in_dim3A_122 {strides = array<i32>} : memref<128xf32, #tpu.memory_space<vmem>>, vector<16xf32>,
    %swap3A_127 = arith.constant 48 : index
    %swap3A_128 = tpu.vector_load %arg16[%swap3A_127] {strides = array<i32>} : memref<128xf32, #tpu.memory_space<vmem>>, vector<16xf32>,
    tpu.vector_store %arg16[%swap3A_127], %broadcast_in_dim3A_122 {strides = array<i32>} : memref<128xf32, #tpu.memory_space<vmem>>, vector<16xf32>,
    %swap3A_129 = arith.constant 64 : index
    %swap3A_130 = tpu.vector_load %arg16[%swap3A_129] {strides = array<i32>} : memref<128xf32, #tpu.memory_space<vmem>>, vector<16xf32>,
    tpu.vector_store %arg16[%swap3A_129], %broadcast_in_dim3A_122 {strides = array<i32>} : memref<128xf32, #tpu.memory_space<vmem>>, vector<16xf32>,
    %swap3A_131 = arith.constant 80 : index
    %swap3A_132 = tpu.vector_load %arg16[%swap3A_131] {strides = array<i32>} : memref<128xf32, #tpu.memory_space<vmem>>, vector<16xf32>,
    tpu.vector_store %arg16[%swap3A_131], %broadcast_in_dim3A_122 {strides = array<i32>} : memref<128xf32, #tpu.memory_space<vmem>>, vector<16xf32>,
    %swap3A_133 = arith.constant 96 : index
    %swap3A_134 = tpu.vector_load %arg16[%swap3A_133] {strides = array<i32>} : memref<128xf32, #tpu.memory_space<vmem>>, vector<16xf32>,
    tpu.vector_store %arg16[%swap3A_133], %broadcast_in_dim3A_122 {strides = array<i32>} : memref<128xf32, #tpu.memory_space<vmem>>, vector<16xf32>,
    %swap3A_135 = arith.constant 112 : index
    %swap3A_136 = tpu.vector_load %arg16[%swap3A_135] {strides = array<i32>} : memref<128xf32, #tpu.memory_space<vmem>>, vector<16xf32>,
    tpu.vector_store %arg16[%swap3A_135], %broadcast_in_dim3A_122 {strides = array<i32>} : memref<128xf32, #tpu.memory_space<vmem>>, vector<16xf32>,
    %mul3A_137 = arith.constant 128 : i32
    %mul3A_138 = arith.muli %add3A, %mul3A_137 : i32
    "tpu.region"() ({
      %run_scoped3A = tpu.sem_alloc : memref<!tpu.dma_semaphore, #tpu.memory_space<semaphore_mem>>
      %dma_start3A_139 = tpu.memref_slice %arg8[%mul3A_138] : memref<4096xf32, #tpu.memory_space<hbm>> -> memref<128xf32, #tpu.memory_space<hbm>>
      %dma_start3A_140 = tpu.memref_slice %arg8[%mul3A_138] : memref<4096xf32, #tpu.memory_space<hbm>> -> memref<128xf32, #tpu.memory_space<hbm>>
      tpu.enqueue_dma source(%arg16 : memref<128xf32, #tpu.memory_space<vmem>>) target(%dma_start3A_140 : memref<128xf32, #tpu.memory_space<hbm>>) target_semaphore(%run_scoped3A : memref<!tpu.dma_semaphore, #tpu.memory_space<semaphore_mem>>)
      %dma_wait3A_141 = tpu.memref_slice %arg8[%mul3A_138] : memref<4096xf32, #tpu.memory_space<hbm>> -> memref<128xf32, #tpu.memory_space<hbm>>
      %dma_wait3A_142 = tpu.memref_slice %arg8[%mul3A_138] : memref<4096xf32, #tpu.memory_space<hbm>> -> memref<128xf32, #tpu.memory_space<hbm>>
      tpu.wait_dma2 semaphore(%run_scoped3A : memref<!tpu.dma_semaphore, #tpu.memory_space<semaphore_mem>>) src(%arg16 : memref<128xf32, #tpu.memory_space<vmem>>) dst(%dma_wait3A_142 : memref<128xf32, #tpu.memory_space<hbm>>)
      tpu.yield
    }) : () -> ()
    return
  }
}

</mosaic_0001>

<sc_bundles>
// kernel: kernel.3.cloned.1.call-start
scs
__scs_entry_jumppad:
0x0: {  	(pc) =	sbr.rel $0x88, $3  }
0x1: {  	(tag) =	ssettag $0x0;
	lr =	simm.s32 $0x1  }
0x2: {  	[smem:$0x3F9B] =	sst lr;
	_ =	strace $0xD0000000  }
0x3: {  	_ = 	snop  }
0x4: {  	_ = 	snop  }
0x5: {  	_ = 	snop  }
0x6: {  	_ = 	snop  }
0x7: {  	_ = 	snop  }
__scs_overlays_trampoline_lowered:
0x8: {  	[smem:$0x3FAA] =	sst s0  }
0x9: {  	[smem:$0x3FAB] =	sst s1  }
0xa: {  	[smem:$0x3FAC] =	sst s2  }
0xb: {  	[smem:$0x3FAD] =	sst s3  }
0xc: {  	[smem:$0x3FAE] =	sst s4  }
0xd: {  	[smem:$0x3FAF] =	sst s5  }
0xe: {  	[smem:$0x3FB0] =	sst s6  }
0xf: {  	[smem:$0x3FB1] =	sst s7  }
0x10: {  	[smem:$0x3FB2] =	sst s8  }
0x11: {  	[smem:$0x3FB3] =	sst s9;
	s0 =	simm.s32 @!p0 $0x0  }
0x12: {  	s1 =	sld [smem:$0x3F99];
	s0 =	simm.s32 @p0 $0x1  }
0x13: {  	[smem:$0x3FB4] =	sst s0;
	s0 =	simm.s32 @!p1 $0x0  }
0x14: {  	s2 =	sld [smem:$0x3F98];
	s0 =	simm.s32 @p1 $0x1  }
0x15: {  	[smem:$0x3FB5] =	sst s0;
	s0 =	simm.s32 @!p2 $0x0  }
0x16: {  	s3 =	sld [smem:$0x3FDB];
	s0 =	simm.s32 @p2 $0x1  }
0x17: {  	s4 =	simm.s32 $0x1BF5;
	[smem:$0x3FB7] =	sst s0  }
0x18: {  	s0 =	sld [smem:$0x3F9A];
	_ =	swait.ge [sflag:s4], $0x0  }
0x19: {  	s7 =	sld [smem:$0x3F9B]  }
0x1a: {  	s8 =	sadd.s32 $0xFFFFE003, lr  }
0x1b: {  	s9 =	sadd.s32 $0xFFFFFEF7, lr;
	s5 =	simm.s32 $0xFFFFFFFF;
	p2 =	slt.u32 s8, $0xFFFFF086  }
0x1c: {  	p1 =	slt.u32 s9, $0xF7A;
	s5 =	simm.s32 @!p2 $0x0  }
0x1d: {  	s5 =	simm.s32 @p1 $0x1;
	p0 =	seq.s32 s7, s2  }
0x1e: {  	s7 =	smul.u32 @!p0 $0xF7A, s2;
	p2 =	seq.s32 @!p0 s5, $0x0  }
0x1f: {  	s9 =	smul.u32 $0xF7A, s1;
	s8 =	simm.s32 @!p0 $0x1BF5;
	p2 =	por !p2, p0  }
0x20: {  	[sflag:s8] =	ssyncset.s32 @!p0 $0xFFFFF086;
	s6 =	sadd.s32 @!p0 s3, s7;
	s7 =	simm.s32 @!p0 $0x108  }
0x21: {  	s3 =	sadd.s32 s3, s9;
	s6 =	sadd.s32 @!p0 $0x88, s6;
	s7 =	simm.s32 @p2 $0x1082  }
0x22: {  	[simem:s7], [sflag:s8] =	dma.local @!p0 [hbm:s6], $0xF7A  }
0x23: {  	s9 =	sor.u32 $0xD0000000, s2;
	s6 =	simm.s32 $0x108;
	_ =	swait.ge @!p0 [sflag:s8], $0x0  }
0x24: {  	s3 =	sadd.s32 $0x88, s3;
	s6 =	simm.s32 @!p1 $0x1082;
	[sflag:s4] =	ssyncset.s32 $0xFFFFF086  }
0x25: {  	[simem:s6], [sflag:s4] =	dma.local [hbm:s3], $0xF7A  }
0x26: {  	[smem:$0x3F9B] =	sst s1;
	(tag) =	ssettag s2;
	_ =	strace s9  }
0x27: {  	s1 =	sld [smem:$0x3FAB]  }
0x28: {  	s2 =	sld [smem:$0x3FAC]  }
0x29: {  	s4 =	sld [smem:$0x3FAE]  }
0x2a: {  	p0 =	seq.s32 s5, $0x0;
	s5 =	sld [smem:$0x3FAF]  }
0x2b: {  	s6 =	sld [smem:$0x3FB0]  }
0x2c: {  	s7 =	sld [smem:$0x3FB1]  }
0x2d: {  	s3 =	simm.s32 $0x108;
	s8 =	sld [smem:$0x3FB2]  }
0x2e: {  	s3 =	simm.s32 @!p0 $0x1082;
	s9 =	sld [smem:$0x3FB3]  }
0x2f: {  	lr =	sadd.s32 s0, s3;
	s0 =	sld [smem:$0x3FAA]  }
0x30: {  	s3 =	sld [smem:$0x3FAD]  }
0x31: {  	[smem:$0x3FB6] =	sst s10  }
0x32: {  	s10 =	sld [smem:$0x3FB4];
	_ =	sdelay $0x3  }
0x33: {  	p0 =	seq.s32 s10, $0x1;
	s10 =	sld [smem:$0x3FB6];
	_ =	sdelay $0x3  }
0x34: {  	[smem:$0x3FB6] =	sst s10  }
0x35: {  	s10 =	sld [smem:$0x3FB5];
	_ =	sdelay $0x3  }
0x36: {  	p1 =	seq.s32 s10, $0x1;
	s10 =	sld [smem:$0x3FB6];
	_ =	sdelay $0x3  }
0x37: {  	[smem:$0x3FB6] =	sst s10  }
0x38: {  	s10 =	sld [smem:$0x3FB7]  }
0x39: {  	_ = 	snop;
	(pc) =	sbr.ind lr, $3  }
0x3a: {  	_ = 	snop  }
0x3b: {  	_ = 	snop  }
0x3c: {  	p2 =	seq.s32 s10, $0x1;
	s10 =	sld [smem:$0x3FB6]  }
0x3d: {  	_ =	shalt  }
0x3e: {  	_ =	shalt  }
0x3f: {  	_ =	shalt  }
0x40: {  	_ =	shalt  }
0x41: {  	_ =	shalt  }
0x42: {  	_ =	shalt  }
0x43: {  	_ =	shalt  }
0x44: {  	_ =	shalt  }
0x45: {  	_ =	shalt  }
0x46: {  	_ =	shalt  }
0x47: {  	_ =	shalt  }
0x48: {  	_ =	shalt  }
0x49: {  	_ =	shalt  }
0x4a: {  	_ =	shalt  }
0x4b: {  	_ =	shalt  }
0x4c: {  	_ =	shalt  }
0x4d: {  	_ =	shalt  }
0x4e: {  	_ =	shalt  }
0x4f: {  	_ =	shalt  }
0x50: {  	_ =	shalt  }
0x51: {  	_ =	shalt  }
0x52: {  	_ =	shalt  }
0x53: {  	_ =	shalt  }
0x54: {  	_ =	shalt  }
0x55: {  	_ =	shalt  }
0x56: {  	_ =	shalt  }
0x57: {  	_ =	shalt  }
0x58: {  	_ =	shalt  }
0x59: {  	_ =	shalt  }
0x5a: {  	_ =	shalt  }
0x5b: {  	_ =	shalt  }
0x5c: {  	_ =	shalt  }
0x5d: {  	_ =	shalt  }
0x5e: {  	_ =	shalt  }
0x5f: {  	_ =	shalt  }
0x60: {  	_ =	shalt  }
0x61: {  	_ =	shalt  }
0x62: {  	_ =	shalt  }
0x63: {  	_ =	shalt  }
0x64: {  	_ =	shalt  }
0x65: {  	_ =	shalt  }
0x66: {  	_ =	shalt  }
0x67: {  	_ =	shalt  }
0x68: {  	_ =	shalt  }
0x69: {  	_ =	shalt  }
0x6a: {  	_ =	shalt  }
0x6b: {  	_ =	shalt  }
0x6c: {  	_ =	shalt  }
0x6d: {  	_ =	shalt  }
0x6e: {  	_ =	shalt  }
0x6f: {  	_ =	shalt  }
0x70: {  	_ =	shalt  }
0x71: {  	_ =	shalt  }
0x72: {  	_ =	shalt  }
0x73: {  	_ =	shalt  }
0x74: {  	_ =	shalt  }
0x75: {  	_ =	shalt  }
0x76: {  	_ =	shalt  }
0x77: {  	_ =	shalt  }
0x78: {  	_ =	shalt  }
0x79: {  	_ =	shalt  }
0x7a: {  	_ =	shalt  }
0x7b: {  	_ =	shalt  }
0x7c: {  	_ =	shalt  }
0x7d: {  	_ =	shalt  }
0x7e: {  	_ =	shalt  }
0x7f: {  	_ =	shalt  }
0x80: {  	_ =	shalt  }
0x81: {  	_ =	shalt  }
0x82: {  	_ =	shalt  }
0x83: {  	_ =	shalt  }
0x84: {  	_ =	shalt  }
0x85: {  	_ =	shalt  }
0x86: {  	_ =	shalt  }
0x87: {  	_ =	shalt  }
.Lfunc_end0:
.L_simem_size_0:
called_computation_lowered:
.L_overlay_start_0:
0x88: {  	s2 =	sld [smem:$0x3FD9]  }
0x89: {  	s3 =	sld [smem:$0x3FFE];
	_ =	sdelay $0x1  }
0x8a: {  	s1 =	srdreg.scid  }
0x8b: {  	s0 =	sand.u32 $0x1, s1  }
0x8c: {  	s17 =	sshll.u32 s0, $0xA;
	s2 =	sadd.s32 s3, s2  }
0x8d: {  	s2 =	sadd.s32 s2, s17  }
0x8e: {  	[smem:$0x3FC2] =	sst s2  }
0x8f: {  	_ = 	snop  }
0x90: {  	s2 =	sld [smem:$0x3FC9]  }
0x91: {  	s18 =	sld [smem:$0x3FC8]  }
0x92: {  	s4 =	sld [smem:$0x3FC7]  }
0x93: {  	s5 =	sld [smem:$0x3FC6]  }
0x94: {  	s6 =	sld [smem:$0x3FC5]  }
0x95: {  	s7 =	sld [smem:$0x3FC4];
	(tm) =	ssettm $0x1  }
0x96: {  	s8 =	sld [smem:$0x3FFB];
	_ =	sdelay $0x3  }
0x97: {  	_ =	strace s8  }
0x98: {  	s8 =	sld [smem:$0x3FFC];
	_ =	sdelay $0x3  }
0x99: {  	_ =	strace s8  }
0x9a: {  	s8 =	sld [smem:$0x3FFD];
	_ =	sdelay $0x3  }
0x9b: {  	_ =	strace s8  }
0x9c: {  	_ =	strace $0x8FFFFFFF  }
0x9d: {  	s19 =	sld [smem:$0x3FDB];
	_ =	sdelay $0x1  }
0x9e: {  	s9 =	simm.s32 $_scs_section_size  }
0x9f: {  	s10 =	simm.s32 $_size__tile_overlayer_lowered;
	s11 =	simm.s32 $_tile_overlayer_lowered  }
0xa0: {  	s22 =	simm.s32 $0x1BFF;
	s21 =	sshll.u32 s11, $0x1;
	s8 =	sadd.s32 s9, s19  }
0xa1: {  	s12 =	simm.s32 $0x0;
	s20 =	sshll.u32 s10, $0x1;
	s10 =	sadd.s32 s21, s8  }
0xa2: {  	[timem:s12], [sflag:s22] =	dma.local [hbm:s10], s20  }
0xa3: {  	_ =	swait.ge [sflag:s22], s20  }
0xa4: {  	s9 =	ssub.s32 $0x0, s20;
	[sflag:s22] =	ssyncset.done $0x0  }
0xa5: {  	[sflag:s22] =	ssyncadd.s32 s9;
	_ =	sdelay $0x1  }
0xa6: {  	s23 =	simm.s32 $0x1B8B  }
0xa7: {  	_ =	swait.ge [sflag:s23], $0x1  }
0xa8: {  	[sflag:s23] =	ssyncset.done $0x0  }
0xa9: {  	s25 =	simm.s32 $0x1B8E;
	s24 =	sld [smem:$0x3FFE];
	[sflag:s23] =	ssyncadd.s32 $0xFFFFFFFF  }
0xaa: {  	s26 =	simm.s32 $execute0_lowered;
	[smem:$0x3FD2] =	sst s25  }
0xab: {  	s10 =	sshll.u32 s26, $0x1;
	_ =	strace $0x80000046;
	[dreg:$0x1] =	wrdreg $0xFFFFFFFF  }
0xac: {  	s28 =	simm.s32 $_size_execute0_lowered;
	s8 =	sadd.s32 s8, s10;
	[dreg:$0x0] =	wrdreg $0x0  }
0xad: {  	s10 =	sshll.u32 s28, $0x1;
	[dreg:$0x2] =	wrdreg s8  }
0xae: {  	[dreg:$0x3] =	wrdreg s10  }
0xaf: {  	[dreg:$0x4] =	wrdreg $0xC0  }
0xb0: {  	_ =	task [dreg:s12], $0x5FFFF  }
0xb1: {  	[dreg:$0x1] =	wrdreg $0xFFFFFFFF  }
0xb2: {  	[dreg:$0x0] =	wrdreg $0x60  }
0xb3: {  	[dreg:$0x2] =	wrdreg s2  }
0xb4: {  	[dreg:$0x3] =	wrdreg s18  }
0xb5: {  	[dreg:$0x4] =	wrdreg s4  }
0xb6: {  	[dreg:$0x5] =	wrdreg s6  }
0xb7: {  	[dreg:$0x6] =	wrdreg s5  }
0xb8: {  	[dreg:$0x7] =	wrdreg s7  }
0xb9: {  	[dreg:$0x8] =	wrdreg s24  }
0xba: {  	[dreg:$0x9] =	wrdreg $0x9  }
0xbb: {  	_ =	task.clear_ibuf [dreg:s12], $0xAFFFF;
	_ =	strace $0x90000046  }
0xbc: {  	s29 =	simm.s32 $0x9;
	_ =	strace $0x80000048  }
0xbd: {  	_ =	swait.ge [sflag:s29], $0x1  }
0xbe: {  	[sflag:s29] =	ssyncadd.s32 $0xFFFFFFFF  }
0xbf: {  	_ =	strace $0x90000048  }
0xc0: {  	_ =	sfence  }
0xc1: {  	s30 =	sld [smem:$0x0];
	_ =	sdelay $0x2  }
0xc2: {  	s31 =	sshll.u32 s1, $0xD;
	s1 =	sshrl.u32 s1, $0x2  }
0xc3: {  	s3 =	sand.u32 $0x4000, s31;
	s1 =	sadd.s32 s1, s30  }
0xc4: {  	s0 =	sor.u32 s3, s0;
	s1 =	sshll.u32 s1, $0x11  }
0xc5: {  	s0 =	sor.u32 s1, s0  }
0xc6: {  	s0 =	sadd.s32 $0x8F2B, s0  }
0xc7: {  	[sflag:s0] =	ssyncadd.remote.s32 $0x1  }
0xc8: {  	_ =	sfence.sel $0xFFFF  }
0xc9: {  	[dreg:$0x0] =	wrdreg $0xFFFFFFFF;
	(pc) =	sbr.abs _section_cstart, $3  }
0xca: {  	[dreg:$0x1] =	wrdreg $0xFFFFFFFF  }
0xcb: {  	_ =	task.clear_ibuf [dreg:s12], $0x2FFFF;
	_ =	strace $0x9FFFFFFF  }
0xcc: {  	(tm) =	ssettm $0x7FFFFFFF  }
0xcd: {  	_ =	shalt  }
tec
execute0_lowered:
.L_overlay_start_1:
0x0: {  	(tag) =	ssettag $0x1  }
0x1: {  	s3 =	rddreg [dreg:$0x0]  }
0x2: {  	s7 =	rddreg [dreg:$0x1]  }
0x3: {  	s5 =	rddreg [dreg:$0x2]  }
0x4: {  	s9 =	rddreg [dreg:$0x3]  }
0x5: {  	s8 =	rddreg [dreg:$0x4]  }
0x6: {  	s6 =	rddreg [dreg:$0x5]  }
0x7: {  	s4 =	rddreg [dreg:$0x6];
	s2 =	simm.s32 $0x0;
	s10 =	srdreg.scid  }
0x8: {  	s0 =	stileid.u32;
	s20 =	simm.f32 $1.000000000e+00;
	s18 =	simm.s32 $0x4000  }
0x9: {  	s21 =	simm.s32 $0x1;
	s22 =	simm.s32 $0x2;
	s23 =	simm.s32 $0xB000  }
0xa: {  	s24 =	simm.s32 $0x3;
	s25 =	simm.s32 $0x0;
	[smem:$0x7FF] =	sst s2  }
0xb: {  	s10 =	sand.u32 $0x1, s10;
	s11 =	sshll.u32 s0, $0x1;
	s15 =	smul.u32 $0x3, s0  }
0xc: {  	s26 =	smul.u32 $0x600, s0;
	s29 =	sshll.u32 s0, $0x7;
	s16 =	sshll.u32 s0, $0x4  }
0xd: {  	s31 =	sshll.u32 s0, $0x8;
	_ =	strace $0x80000047;
	s11 =	sor.u32 s10, s11  }
0xe: {  	s12 =	ssub.s32 $0x2, s10;
	s30 =	sor.u32 s16, s29;
	s8 =	sadd.s32 s8, s31  }
0xf: {  	p0 =	seq.s32 s10, $0x0;
	s16 =	simm.s32 $0x400;
	s13 =	sshll.u32 s11, $0x4  }
0x10: {  	s14 =	sshrl.u32 s12, $0x1;
	s11 =	sshll.u32 s11, $0xB;
	s28 =	sadd.s32 s15, s10  }
0x11: {  	s10 =	sshll.u32 s10, $0x7;
	s20 =	simm.s32 @!p0 $0x0;
	s15 =	simm.s32 $0x80  }
0x12: {  	s13 =	sadd.s32 s13, s4;
	s12 =	ssub.s32 s12, s14;
	s3 =	sadd.s32 s3, s11  }
0x13: {  	s14 =	sshll.u32 s28, $0x9;
	s4 =	sadd.s32 s5, s26;
	s7 =	sadd.s32 s7, s11  }
0x14: {  	s10 =	sor.u32 $0xA400, s10;
	v0 =	vmov s20;
	s20 =	simm.s32 $0xA000;
	s5 =	sadd.s32 s5, s14  }
0x15: {  	vm0 =	vcmask $0xB08;
	s14 =	sand.u32 $0x470, s30;
	s11 =	sadd.s32 $0x200, s13;
	s12 =	smax.u32 s12, $0x1  }
0x16: {  	vm1 =	vcmask $0x3F08;
	vm2 =	vcmask $0x3F04;
	v1 =	vimm.f32 $0.0e+00;
	s5 =	sadd.s32 $0x200, s5;
	s6 =	sadd.s32 s6, s14;
	s9 =	sadd.s32 s9, s14  }
.LBB2_1:
0x17: {  	[tilespmem:s2], [sflag:$0x1] =	stream.linear.gather [hbm4b:s3+s2], $0x4000, $0x38;
	[tilespmem:$0xB080] =	vst v63  }
0x18: {  	s0 =	simm.s32 $0x8000  }
0x19: {  	[tilespmem:s0], [sflag:$0x1] =	stream.linear.gather [hbm4b:s4+s2], $0x1000, $0x38;
	[tilespmem:$0xB080] =	vst v63  }
0x1a: {  	s17 =	simm.s32 $0x9000  }
0x1b: {  	[tilespmem:s17], [sflag:$0x1] =	stream.linear.gather [hbm4b:s5+s2], $0x1000, $0x38;
	[tilespmem:$0xB080] =	vst v63  }
0x1c: {  	s19 =	simm.s32 $0xAC00  }
0x1d: {  	[tilespmem:s19], [sflag:$0x1] =	stream.strided.gather [hbm4b:s6+s15], $0x400, s16, s15, $0x38;
	[tilespmem:$0xB080] =	vst v63  }
0x1e: {  	_ = 	snop  }
0x1f: {  	[tilespmem:s18], [sflag:$0x2] =	stream.linear.gather [hbm4b:s7+s2], $0x4000, $0x38;
	[tilespmem:$0xB080] =	vst v63  }
0x20: {  	s26 =	simm.s32 $0xA400  }
0x21: {  	[tilespmem:s26], [sflag:$0x2] =	stream.linear.gather [hbm4b:s8+s2], $0x800, $0x38;
	[tilespmem:$0xB080] =	vst v63  }
0x22: {  	_ = 	snop  }
0x23: {  	[tilespmem:s20], [sflag:$0x2] =	stream.strided.gather [hbm4b:s9+s15], $0x400, s16, s15, $0x38;
	[tilespmem:$0xB080] =	vst v63  }
0x24: {  	_ =	swait.ge [sflag:s21], $0x4000  }
0x25: {  	[sflag:s21] =	ssyncset.done $0x0  }
0x26: {  	[sflag:s21] =	ssyncadd.s32 $0xFFFFC000  }
0x27: {  	_ =	swait.ge [sflag:s21], $0x1000  }
0x28: {  	[sflag:s21] =	ssyncset.done $0x0  }
0x29: {  	[sflag:s21] =	ssyncadd.s32 $0xFFFFF000  }
0x2a: {  	_ =	swait.ge [sflag:s21], $0x1000  }
0x2b: {  	[sflag:s21] =	ssyncset.done $0x0  }
0x2c: {  	[sflag:s21] =	ssyncadd.s32 $0xFFFFF000  }
0x2d: {  	_ =	swait.ge [sflag:s21], $0x400  }
0x2e: {  	[sflag:s21] =	ssyncset.done $0x0  }
0x2f: {  	s28 =	simm.s32 $0x9020;
	[sflag:s21] =	ssyncadd.s32 $0xFFFFFC00  }
0x30: {  	s26 =	simm.s32 $0x8020;
	v4 =	vld [tilespmem:s28+$0x10]  }
0x31: {  	v2 =	vld [tilespmem:s26+$0xFFFFFFE0]  }
0x32: {  	v3 =	vld [tilespmem:s28+$0x0]  }
0x33: {  	v6 =	vld [tilespmem:s26+$0xFFFFFFF0]  }
0x34: {  	v7 =	vld [tilespmem:s28+$0xFFFFFFF0]  }
0x35: {  	s29 =	sand.u32 $0x380, s2;
	s30 =	simm.s32 $0x20;
	v8 =	vld [tilespmem:s26+$0x0]  }
0x36: {  	v9 =	vld [tilespmem:s28+$0xFFFFFFE0];
	s28 =	sor.u32 $0xAC00, s29;
	s29 =	sand.u32 $0x60, s30  }
0x37: {  	v15 =	vld [tilespmem:s26+$0x10];
	s30 =	sand.u32 $0x40, s2;
	s29 =	sor.u32 s29, s28  }
0x38: {  	v5 =	vld [tilespmem:s29+$0x0];
	s29 =	sor.u32 s30, s28;
	s30 =	simm.s32 $0x10  }
0x39: {  	v14 =	vld [tilespmem:s29+$0x0];
	s29 =	sand.u32 $0x50, s30  }
0x3a: {  	s29 =	sor.u32 s29, s28;
	v2 =	vld.idx.msk [tilespmem:v2+s2+$0x0], $0xffff  }
0x3b: {  	s30 =	simm.s32 $0x30;
	v11 =	vld [tilespmem:s29+$0x0]  }
0x3c: {  	s29 =	sand.u32 $0x70, s30;
	v10 =	vld.idx.msk [tilespmem:v6+s2+$0x0], $0xffff  }
0x3d: {  	v16 =	vcvt.s32.f32 v9;
	s29 =	sor.u32 s29, s28;
	v9 =	vld.idx.msk [tilespmem:v8+s2+$0x0], $0xffff  }
0x3e: {  	s31 =	simm.s32 $0x0;
	v12 =	vcvt.s32.f32 v7;
	v6 =	vld [tilespmem:s29+$0x0]  }
0x3f: {  	v7 =	vimm.f32 $0.0e+00;
	s30 =	simm.s32 $0x0;
	s28 =	simm.s32 $0x0;
	v8 =	vld.idx.msk [tilespmem:v15+s2+$0x0], $0xffff;
	s29 =	simm.s32 $0x9060;
	v13 =	vmul.f32 v14, v2;
	v14 =	vmul.f32 v16, v14  }
.LBB2_2:
0x40: {  	v2 =	vld [tilespmem:s29+$0x10];
	v15 =	vcvt.s32.f32 v3;
	s26 =	sadd.s32 $0x40, s26  }
0x41: {  	s28 =	sadd.s32 $0x4, s28;
	v16 =	vld [tilespmem:s26+$0xFFFFFFE0];
	v13 =	vsub.f32 v13, v14;
	v10 =	vmul.f32 v11, v10;
	v11 =	vmul.f32 v12, v11  }
0x42: {  	v17 =	vcvt.s32.f32 v4;
	p0 =	slt.u32 s28, $0xFC;
	v3 =	vld [tilespmem:s29+$0x0];
	v12 =	vmul.f32 v15, v5  }
0x43: {  	v5 =	vmul.f32 v5, v9;
	v14 =	vld [tilespmem:s26+$0xFFFFFFF0];
	v13 =	vand.u32 $0x7FFFFFFF, v13;
	v10 =	vsub.f32 v10, v11  }
0x44: {  	s30 =	sadd.s32 $0x10, s30;
	s31 =	sadd.s32 $0x40, s31;
	v9 =	vmul.f32 v17, v6;
	v15 =	vld [tilespmem:s29+$0xFFFFFFF0];
	v7 =	vadd.f32 v13, v7  }
0x45: {  	s0 =	sand.u32 $0x380, s30;
	s1 =	sadd.s32 $0x20, s31;
	v5 =	vsub.f32 v5, v12;
	v6 =	vmul.f32 v6, v8;
	v13 =	vld [tilespmem:s26+$0x0];
	v10 =	vand.u32 $0x7FFFFFFF, v10;
	v4 =	vmovc v2  }
0x46: {  	s0 =	sor.u32 $0xAC00, s0;
	s1 =	sand.u32 $0x60, s1;
	v2 =	vld [tilespmem:s29+$0xFFFFFFE0];
	v7 =	vadd.f32 v10, v7  }
0x47: {  	s1 =	sor.u32 s1, s0;
	v10 =	vand.u32 $0x7FFFFFFF, v5;
	v6 =	vsub.f32 v6, v9;
	v8 =	vld [tilespmem:s26+$0x10]  }
0x48: {  	s13 =	sand.u32 $0x40, s31;
	v5 =	vld [tilespmem:s1+$0x0];
	v7 =	vadd.f32 v10, v7  }
0x49: {  	s1 =	sor.u32 s13, s0;
	s13 =	sadd.s32 $0x10, s31;
	v6 =	vand.u32 $0x7FFFFFFF, v6;
	v16 =	vld.idx.msk [tilespmem:v16+s2+$0x0], $0xffff  }
0x4a: {  	v17 =	vld [tilespmem:s1+$0x0];
	s1 =	sand.u32 $0x50, s13;
	v7 =	vadd.f32 v6, v7  }
.Ltmp0:
0x4b: {  	s13 =	sadd.s32 $0x30, s31;
	v10 =	vld.idx.msk [tilespmem:v14+s2+$0x0], $0xffff;
	s1 =	sor.u32 s1, s0;
	(pc) =	sbr.rel @p0 .LBB2_2-.Ltmp0, $4  }
0x4c: {  	v11 =	vld [tilespmem:s1+$0x0];
	s1 =	sand.u32 $0x70, s13  }
0x4d: {  	v2 =	vcvt.s32.f32 v2;
	v9 =	vld.idx.msk [tilespmem:v13+s2+$0x0], $0xffff;
	s0 =	sor.u32 s1, s0  }
0x4e: {  	v12 =	vcvt.s32.f32 v15;
	v6 =	vld [tilespmem:s0+$0x0]  }
0x4f: {  	s29 =	sadd.s32 $0x40, s29;
	v13 =	vmul.f32 v17, v16;
	v14 =	vmul.f32 v2, v17;
	v8 =	vld.idx.msk [tilespmem:v8+s2+$0x0], $0xffff  }
0x50: {  	_ =	swait.ge [sflag:s22], $0x4000  }
0x51: {  	[sflag:s22] =	ssyncset.done $0x0  }
0x52: {  	[sflag:s22] =	ssyncadd.s32 $0xFFFFC000  }
0x53: {  	_ =	swait.ge [sflag:s22], $0x800  }
0x54: {  	[sflag:s22] =	ssyncset.done $0x0  }
0x55: {  	s26 =	simm.s32 $0x0;
	[sflag:s22] =	ssyncadd.s32 $0xFFFFF800  }
0x56: {  	s1 =	simm.s32 $0x0;
	s0 =	sand.u32 $0x40, s26;
	_ =	swait.ge [sflag:s22], $0x400  }
0x57: {  	s1 =	sand.u32 $0xFFFFFF80, s1;
	s28 =	sor.u32 $0x30, s0;
	[sflag:s22] =	ssyncset.done $0x0  }
0x58: {  	s13 =	sor.u32 s1, s28;
	[sflag:s22] =	ssyncadd.s32 $0xFFFFFC00  }
0x59: {  	v15 =	vcvt.s32.f32 v3;
	s29 =	sor.u32 s0, s1;
	s30 =	sor.u32 $0x20, s0;
	v2 =	vld [tilespmem:s13+$0xAC00]  }
0x5a: {  	v10 =	vmul.f32 v11, v10;
	v11 =	vmul.f32 v12, v11;
	s14 =	sor.u32 $0x10, s0;
	s31 =	sor.u32 s1, s30;
	v12 =	vld [tilespmem:s29+$0xA000]  }
0x5b: {  	v13 =	vsub.f32 v13, v14;
	s1 =	sor.u32 s1, s14;
	v3 =	vld [tilespmem:s31+$0xAC00]  }
0x5c: {  	v4 =	vcvt.s32.f32 v4;
	v14 =	vmul.f32 v15, v5;
	v16 =	vld [tilespmem:s1+$0xA000]  }
0x5d: {  	s17 =	simm.s32 $0x0;
	v9 =	vmul.f32 v5, v9;
	v11 =	vsub.f32 v10, v11;
	v10 =	vand.u32 $0x7FFFFFFF, v13;
	v5 =	vld [tilespmem:s1+$0xAC00]  }
0x5e: {  	s19 =	sand.u32 $0x3FFFFF00, s17;
	v4 =	vmul.f32 v4, v6;
	v7 =	vadd.f32 v10, v7;
	v10 =	vld [tilespmem:s31+$0xA000]  }
0x5f: {  	v9 =	vsub.f32 v9, v14;
	v8 =	vmul.f32 v6, v8;
	v11 =	vand.u32 $0x7FFFFFFF, v11;
	s31 =	sadd.s32 s19, s10;
	v6 =	vld [tilespmem:s29+$0xAC00]  }
0x60: {  	v13 =	vadd.f32 v11, v7;
	v11 =	vld [tilespmem:s13+$0xA000];
	s1 =	sadd.s32 s30, s31  }
0x61: {  	v9 =	vand.u32 $0x7FFFFFFF, v9;
	v4 =	vsub.f32 v8, v4;
	s0 =	sadd.s32 s0, s31;
	v7 =	vld [tilespmem:s1+$0x0]  }
0x62: {  	v8 =	vadd.f32 v9, v13;
	v14 =	vld [tilespmem:s0+$0x0]  }
0x63: {  	v4 =	vand.u32 $0x7FFFFFFF, v4;
	v13 =	vld.idx.msk [tilespmem:v12+s18+$0x0], $0xffff  }
0x64: {  	v9 =	vimm.f32 $0.0e+00;
	s29 =	simm.s32 $0x0;
	v4 =	vadd.f32 v4, v8;
	v8 =	vimm.f32 $0.0e+00;
	s30 =	sadd.s32 s14, s31;
	v12 =	vld.idx.msk [tilespmem:v16+s18+$0x0], $0xffff  }
.LBB2_4:
0x65: {  	s29 =	sadd.s32 $0x4, s29;
	v15 =	vld [tilespmem:s30+$0x0];
	s26 =	sadd.s32 $0x40, s26  }
0x66: {  	s1 =	sadd.s32 s28, s31;
	s30 =	sand.u32 $0x40, s26;
	s0 =	sshll.u32 s29, $0x4;
	v10 =	vld.idx.msk [tilespmem:v10+s18+$0x0], $0xffff  }
0x67: {  	p0 =	slt.u32 s29, $0x3C;
	s0 =	sand.u32 $0xFFFFFF80, s0;
	s28 =	sor.u32 $0x30, s30;
	v16 =	vld [tilespmem:s1+$0x0]  }
0x68: {  	v13 =	vmul.f32 v6, v13;
	s1 =	sor.u32 s0, s28;
	v14 =	vmul.f32 v6, v14;
	v11 =	vld.idx.msk [tilespmem:v11+s18+$0x0], $0xffff  }
0x69: {  	v18 =	vmul.f32 v5, v0;
	s14 =	sor.u32 $0x20, s30;
	s13 =	sor.u32 s30, s0;
	v17 =	vld [tilespmem:s1+$0xAC00]  }
0x6a: {  	s17 =	sor.u32 $0x10, s30;
	s31 =	sor.u32 s0, s14;
	v12 =	vmul.f32 v5, v12;
	v19 =	vld [tilespmem:s13+$0xA000];
	v13 =	vsub.f32 v13, v14;
	v5 =	vmul.f32 v5, v15  }
0x6b: {  	v7 =	vmul.f32 v3, v7;
	s0 =	sor.u32 s0, s17;
	v6 =	vmul.f32 v6, v0;
	v14 =	vld [tilespmem:s31+$0xAC00]  }
0x6c: {  	v20 =	vmul.f32 v3, v10;
	v15 =	vld [tilespmem:s0+$0xA000];
	v13 =	vand.u32 $0x7FFFFFFF, v13;
	v12 =	vsub.f32 v12, v5  }
0x6d: {  	s19 =	sshll.u32 s29, $0x5;
	v9 =	vadd.f32 v6, v9;
	v5 =	vld [tilespmem:s0+$0xAC00];
	v8 =	vadd.f32 v13, v8;
	v13 =	vmul.f32 v2, v16  }
0x6e: {  	s0 =	sand.u32 $0x3FFFFF00, s19;
	v7 =	vsub.f32 v20, v7;
	v16 =	vmul.f32 v2, v11;
	v10 =	vld [tilespmem:s31+$0xA000];
	v12 =	vand.u32 $0x7FFFFFFF, v12  }
0x6f: {  	v9 =	vadd.f32 v18, v9;
	s31 =	sadd.s32 s0, s10;
	v6 =	vld [tilespmem:s13+$0xAC00];
	v8 =	vadd.f32 v12, v8;
	v12 =	vmul.f32 v3, v0  }
.Ltmp1:
0x70: {  	s0 =	sadd.s32 s14, s31;
	v18 =	vand.u32 $0x7FFFFFFF, v7;
	v16 =	vsub.f32 v16, v13;
	v11 =	vld [tilespmem:s1+$0xA000];
	v3 =	vmov v14;
	(pc) =	sbr.rel @p0 .LBB2_4-.Ltmp1, $4  }
0x71: {  	v7 =	vld [tilespmem:s0+$0x0];
	v8 =	vadd.f32 v18, v8;
	v9 =	vadd.f32 v12, v9;
	v12 =	vmul.f32 v2, v0;
	v2 =	vmovc v17  }
0x72: {  	s0 =	sadd.s32 s30, s31;
	v16 =	vand.u32 $0x7FFFFFFF, v16;
	v13 =	vld.idx.msk [tilespmem:v19+s18+$0x0], $0xffff  }
0x73: {  	v14 =	vld [tilespmem:s0+$0x0];
	v8 =	vadd.f32 v16, v8;
	v9 =	vadd.f32 v12, v9  }
0x74: {  	s30 =	sadd.s32 s17, s31;
	v12 =	vld.idx.msk [tilespmem:v15+s18+$0x0], $0xffff  }
0x75: {  	_ =	sdelay $0x1  }
0x76: {  	v15 =	vld [tilespmem:s30+$0x0];
	_ =	sdelay $0x1  }
0x77: {  	v10 =	vld.idx.msk [tilespmem:v10+s18+$0x0], $0xffff  }
0x78: {  	s0 =	sadd.s32 s28, s31;
	v11 =	vld.idx.msk [tilespmem:v11+s18+$0x0], $0xffff;
	v13 =	vmul.f32 v6, v13;
	v14 =	vmul.f32 v6, v14  }
0x79: {  	v17 =	vmul.f32 v5, v0;
	v16 =	vld [tilespmem:s0+$0x0]  }
0x7a: {  	v12 =	vmul.f32 v5, v12;
	v13 =	vsub.f32 v13, v14;
	v57 =	vmul.f32 v5, v15  }
0x7b: {  	v58 =	vmul.f32 v6, v0;
	v7 =	vmul.f32 v3, v7  }
0x7c: {  	v10 =	vmul.f32 v3, v10;
	v13 =	vand.u32 $0x7FFFFFFF, v13;
	v5 =	vsub.f32 v12, v57  }
0x7d: {  	v6 =	vadd.f32 v58, v9;
	v60 =	vmul.f32 v2, v11;
	v8 =	vadd.f32 v13, v8  }
0x7e: {  	v59 =	vmul.f32 v2, v16;
	v7 =	vsub.f32 v10, v7;
	v5 =	vand.u32 $0x7FFFFFFF, v5  }
0x7f: {  	v6 =	vadd.f32 v17, v6;
	v5 =	vadd.f32 v5, v8  }
0x80: {  	v3 =	vmul.f32 v3, v0;
	v61 =	vsub.f32 v60, v59;
	v7 =	vand.u32 $0x7FFFFFFF, v7  }
0x81: {  	v5 =	vadd.f32 v7, v5  }
0x82: {  	v2 =	vmul.f32 v2, v0;
	v3 =	vadd.f32 v3, v6;
	v62 =	vand.u32 $0x7FFFFFFF, v61  }
0x83: {  	v5 =	vadd.f32 v62, v5  }
0x84: {  	(xrf2) =	vadd.scan.msk.f32 $0xffff, v4;
	v2 =	vadd.f32 v2, v3  }
0x85: {  	(xrf2) =	vadd.scan.msk.f32 $0xffff, v5  }
0x86: {  	(xrf2) =	vadd.scan.msk.f32 $0xffff, v2;
	_ =	sdelay $0x7  }
0x87: {  	v2, _, _ =	vpop (xrf2)  }
0x88: {  	[tilespmem:$0xB010] =	vst v1;
	v3, _, _ =	vpop (xrf2)  }
0x89: {  	[tilespmem:$0xB020] =	vst v1;
	v63, _, _ =	vpop (xrf2)  }
0x8a: {  	[tilespmem:$0xB030] =	vst v1;
	v4 =	vbroadcast v63, $0xF  }
0x8b: {  	[tilespmem:$0xB040] =	vst v1;
	v3 =	vbroadcast v3, $0xF  }
0x8c: {  	[tilespmem:$0xB050] =	vst v1;
	v2 =	vbroadcast v2, $0xF;
	v4 =	vnsel vm0, $0x0, v4  }
0x8d: {  	s25 =	sadd.s32 $0x1, s25;
	[tilespmem:$0xB060] =	vst v1;
	v3 =	vsel vm1, v4, v3  }
0x8e: {  	[tilespmem:$0xB070] =	vst v1;
	p0 =	sne.s32 s25, s12;
	v2 =	vsel vm2, v3, v2  }
.Ltmp2:
0x8f: {  	[tilespmem:$0xB000] =	vst v2;
	(pc) =	sbr.rel @p0 .LBB2_1-.Ltmp2, $4  }
0x90: {  	[hbm4b:s11+s2] =	stream.linear.scatter [tilespmem:s23], [sflag:$0x3], $0x80, $0x38;
	[tilespmem:$0xB080] =	vst v63  }
0x91: {  	_ =	swait.ge [sflag:s24], $0x80  }
0x92: {  	[sflag:s24] =	ssyncset.done $0x0  }
0x93: {  	[sflag:s24] =	ssyncadd.s32 $0xFFFFFF80  }
0x94: {  	_ =	sfence.sel $0x180000  }
0x95: {  	[bflag:$0x0] =	sbarrier.arrive $0xFFFF  }
0x96: {  	_ =	strace $0x90000047  }
0x97: {  	s0 =	stileid.u32;
	[bflag:$0x2] =	sbarrier.arrive $0xFFFF  }
0x98: {  	p0 =	sne.s32 s0, $0x0;
	s0 =	rddreg [dreg:$0x7]  }
0x99: {  	s0 =	sadd.s32 @!p0 $0x100000, s0  }
0x9a: {  	[sflag:s0] =	ssyncadd.tile.s32 @!p0 $0x1;
	_ =	shalt  }
.Lfunc_end2:
_tile_overlayer_lowered:
.L_overlay_start_2:
0x9b: {  	(tag) =	ssettag $0x2  }
0x9c: {  	s0 =	rddreg [dreg:$0x0];
	s2 =	stileid.u32  }
0x9d: {  	s1 =	rddreg [dreg:$0x1];
	p0 =	sne.s32 s2, $0x0  }
0x9e: {  	s3 =	rddreg [dreg:$0x2];
	[bflag:$0x3] =	sbarrier.arrive $0xFFFF;
	s2 =	simm.s32 @!p0 $0x1C03  }
0x9f: {  	[timem:s3], [sflag:s2] =	dma.local @!p0 [hbm:s0], s1  }
0xa0: {  	s0 =	simm.s32 @!p0 $0x3  }
0xa1: {  	_ =	swait.ge @!p0 [sflag:s0], s1  }
0xa2: {  	s1 =	ssub.s32 @!p0 $0x0, s1;
	[sflag:s0] =	ssyncset.done @!p0 $0x0  }
0xa3: {  	[sflag:s0] =	ssyncadd.s32 @!p0 s1  }
0xa4: {  	[bflag:$0x3] =	sbarrier.arrive $0xFFFF  }
0xa5: {  	_ =	shalt  }

</sc_bundles>
